<compile_context>
chip_gen: v7x
topology: tpu7x:2x2x1
jax: 0.10.2.dev20260603
libtpu: 0.0.44.dev20260713+nightly
codegen_flags: <defaults>
</compile_context>

<pallas_src>
import functools

import jax
import jax.numpy as jnp
from jax.experimental import pallas as pl
from jax.experimental.pallas import tpu as pltpu

N = 100000
C = 3
K = 50000


def _score_body(xt_ref, w_ref, out_ref):
    w = w_ref[0, :]
    denom = jnp.sqrt(w[0] * w[0] + w[1] * w[1] + w[2] * w[2]) + 1e-16
    s = (xt_ref[0, :] * w[0] + xt_ref[2, :] * w[2]) + xt_ref[1, :] * w[1]
    out_ref[0, :] = jnp.tanh(s / denom)


def _scores(x, weight):
    xt = x.T
    w2 = weight.reshape(1, C)
    out = pl.pallas_call(
        _score_body,
        out_shape=jax.ShapeDtypeStruct((1, N), jnp.float32),
        in_specs=[
            pl.BlockSpec(memory_space=pltpu.ANY if False else pltpu.VMEM),
            pl.BlockSpec(memory_space=pltpu.VMEM),
        ],
        out_specs=pl.BlockSpec(memory_space=pltpu.VMEM),
    )(xt, w2)
    return out[0]


def kernel(x, edge_index, weight):
    score = _scores(x, weight)
    _, perm = jax.lax.top_k(score, K)
    score_sel = jnp.take(score, perm, axis=0)
    x_out = jnp.take(x, perm, axis=0) * score_sel[:, None]
    node_map = jnp.full((N,), -1, dtype=edge_index.dtype)
    node_map = node_map.at[perm].set(jnp.arange(K, dtype=edge_index.dtype))
    row = jnp.take(node_map, edge_index[0], axis=0)
    col = jnp.take(node_map, edge_index[1], axis=0)
    keep = (row >= 0) & (col >= 0)
    new_edge_index = jnp.where(keep[None, :], jnp.stack([row, col], axis=0), -1)
    return x_out, new_edge_index, perm

# --- scband reference (transcript-rebuilt; emitter-appended) ---
"""Pipeline reference for scband-down-sample-block-7919919693899 (READ-ONLY COPY).

The authoritative reference and input builder live on the scoring server;
editing this copy changes nothing except your own understanding.
"""

import jax, jax.numpy as jnp
import numpy as np

N = 100000
E = 6400000
C = 3
RATIO = 0.5
K = int(np.ceil(RATIO * N))  # 50000


def setup_inputs(seed: int = 0) -> dict:
    key = jax.random.key(seed)
    k1, k2, k3 = jax.random.split(key, 3)
    x = jax.random.normal(k1, (N, C), dtype=jnp.float32)
    edge_index = jax.random.randint(k2, (2, E), 0, N, dtype=jnp.int32)
    # TopKPooling learnable projection weight, shape [in_channels]
    weight = jax.random.normal(k3, (C,), dtype=jnp.float32)
    return {"x": x, "edge_index": edge_index, "weight": weight}


def reference(x, edge_index, weight):
    # PyG TopKPooling forward:
    #   score = (x * weight).sum(-1) / ||weight||_2
    #   score = tanh(score)
    #   perm = top ceil(ratio*N) nodes by score
    #   x_out = x[perm] * score[perm].unsqueeze(-1)
    #   edge_index filtered/remapped to selected nodes
    score = jnp.sum(x * weight[None, :], axis=-1) / (jnp.linalg.norm(weight) + 1e-16)
    score = jnp.tanh(score)
    _, perm = jax.lax.top_k(score, K)
    score_sel = jnp.take(score, perm, axis=0)
    x_out = jnp.take(x, perm, axis=0) * score_sel[:, None]
    # filter_adj: remap node ids; edges with a dropped endpoint marked -1 (static shape under jit)
    node_map = jnp.full((N,), -1, dtype=edge_index.dtype)
    node_map = node_map.at[perm].set(jnp.arange(K, dtype=edge_index.dtype))
    row = jnp.take(node_map, edge_index[0], axis=0)
    col = jnp.take(node_map, edge_index[1], axis=0)
    keep = (row >= 0) & (col >= 0)
    new_edge_index = jnp.where(keep[None, :], jnp.stack([row, col], axis=0), -1)
    return x_out, new_edge_index, perm

if __name__ == "__main__":
    import jax
    _d = setup_inputs()
    print(jax.jit(kernel)(*tuple(_d.values())))

</pallas_src>

<mosaic_0001>
module attributes {stable_mosaic.version = 14 : i64} {
  func.func @_score_body(%arg0: memref<3x100000xf32, #tpu.memory_space<vmem>>, %arg1: memref<1x3xf32, #tpu.memory_space<vmem>>, %arg2: memref<1x100000xf32, #tpu.memory_space<vmem>>) attributes {dimension_semantics = [], scalar_prefetch = 0 : i64, scratch_operands = 0 : i64, tpu.core_type = #tpu.core_type<tc>} {
    %get3A = arith.constant 0 : index
    %get3A_0 = arith.constant 0 : index
    %get3A_1 = vector.load %arg1[%get3A, %get3A_0] : memref<1x3xf32, #tpu.memory_space<vmem>>, vector<1x3xf32>
    %get3A_2 = vector.shape_cast %get3A_1 : vector<1x3xf32> to vector<3xf32>
    %slice3A = vector.extract_strided_slice %get3A_2 {offsets = [0], sizes = [1], strides = [1]} : vector<3xf32> to vector<1xf32>
    %squeeze3A = vector.extract %slice3A[0] : f32 from vector<1xf32>
    %slice3A_3 = vector.extract_strided_slice %get3A_2 {offsets = [0], sizes = [1], strides = [1]} : vector<3xf32> to vector<1xf32>
    %squeeze3A_4 = vector.extract %slice3A_3[0] : f32 from vector<1xf32>
    %mul3A = arith.mulf %squeeze3A, %squeeze3A_4 : f32
    %slice3A_5 = vector.extract_strided_slice %get3A_2 {offsets = [1], sizes = [1], strides = [1]} : vector<3xf32> to vector<1xf32>
    %squeeze3A_6 = vector.extract %slice3A_5[0] : f32 from vector<1xf32>
    %slice3A_7 = vector.extract_strided_slice %get3A_2 {offsets = [1], sizes = [1], strides = [1]} : vector<3xf32> to vector<1xf32>
    %squeeze3A_8 = vector.extract %slice3A_7[0] : f32 from vector<1xf32>
    %mul3A_9 = arith.mulf %squeeze3A_6, %squeeze3A_8 : f32
    %add3A = arith.addf %mul3A, %mul3A_9 : f32
    %slice3A_10 = vector.extract_strided_slice %get3A_2 {offsets = [2], sizes = [1], strides = [1]} : vector<3xf32> to vector<1xf32>
    %squeeze3A_11 = vector.extract %slice3A_10[0] : f32 from vector<1xf32>
    %slice3A_12 = vector.extract_strided_slice %get3A_2 {offsets = [2], sizes = [1], strides = [1]} : vector<3xf32> to vector<1xf32>
    %squeeze3A_13 = vector.extract %slice3A_12[0] : f32 from vector<1xf32>
    %mul3A_14 = arith.mulf %squeeze3A_11, %squeeze3A_13 : f32
    %add3A_15 = arith.addf %add3A, %mul3A_14 : f32
    %sqrt3A = math.sqrt %add3A_15 : f32
    %add3A_16 = arith.constant 1.000000e-16 : f32
    %add3A_17 = arith.addf %sqrt3A, %add3A_16 : f32
    %get3A_18 = arith.constant 0 : index
    %get3A_19 = arith.constant 0 : index
    %get3A_20 = vector.load %arg0[%get3A_18, %get3A_19] : memref<3x100000xf32, #tpu.memory_space<vmem>>, vector<1x100000xf32>
    %get3A_21 = vector.shape_cast %get3A_20 : vector<1x100000xf32> to vector<100000xf32>
    %slice3A_22 = vector.extract_strided_slice %get3A_2 {offsets = [0], sizes = [1], strides = [1]} : vector<3xf32> to vector<1xf32>
    %squeeze3A_23 = vector.extract %slice3A_22[0] : f32 from vector<1xf32>
    %mul3A_24 = vector.broadcast %squeeze3A_23 : f32 to vector<100000xf32>
    %mul3A_25 = arith.mulf %get3A_21, %mul3A_24 : vector<100000xf32>
    %get3A_26 = arith.constant 2 : index
    %get3A_27 = arith.constant 0 : index
    %get3A_28 = vector.load %arg0[%get3A_26, %get3A_27] : memref<3x100000xf32, #tpu.memory_space<vmem>>, vector<1x100000xf32>
    %get3A_29 = vector.shape_cast %get3A_28 : vector<1x100000xf32> to vector<100000xf32>
    %slice3A_30 = vector.extract_strided_slice %get3A_2 {offsets = [2], sizes = [1], strides = [1]} : vector<3xf32> to vector<1xf32>
    %squeeze3A_31 = vector.extract %slice3A_30[0] : f32 from vector<1xf32>
    %mul3A_32 = vector.broadcast %squeeze3A_31 : f32 to vector<100000xf32>
    %mul3A_33 = arith.mulf %get3A_29, %mul3A_32 : vector<100000xf32>
    %add3A_34 = arith.addf %mul3A_25, %mul3A_33 : vector<100000xf32>
    %get3A_35 = arith.constant 1 : index
    %get3A_36 = arith.constant 0 : index
    %get3A_37 = vector.load %arg0[%get3A_35, %get3A_36] : memref<3x100000xf32, #tpu.memory_space<vmem>>, vector<1x100000xf32>
    %get3A_38 = vector.shape_cast %get3A_37 : vector<1x100000xf32> to vector<100000xf32>
    %slice3A_39 = vector.extract_strided_slice %get3A_2 {offsets = [1], sizes = [1], strides = [1]} : vector<3xf32> to vector<1xf32>
    %squeeze3A_40 = vector.extract %slice3A_39[0] : f32 from vector<1xf32>
    %mul3A_41 = vector.broadcast %squeeze3A_40 : f32 to vector<100000xf32>
    %mul3A_42 = arith.mulf %get3A_38, %mul3A_41 : vector<100000xf32>
    %add3A_43 = arith.addf %add3A_34, %mul3A_42 : vector<100000xf32>
    %div3A = vector.broadcast %add3A_17 : f32 to vector<100000xf32>
    %div3A_44 = arith.divf %add3A_43, %div3A : vector<100000xf32>
    %tanh3A = math.tanh %div3A_44 : vector<100000xf32>
    %swap3A = arith.constant 0 : index
    %swap3A_45 = arith.constant 0 : index
    %swap3A_46 = vector.load %arg2[%swap3A, %swap3A_45] : memref<1x100000xf32, #tpu.memory_space<vmem>>, vector<1x100000xf32>
    %swap3A_47 = vector.shape_cast %swap3A_46 : vector<1x100000xf32> to vector<100000xf32>
    %swap3A_48 = vector.shape_cast %tanh3A : vector<100000xf32> to vector<1x100000xf32>
    tpu.vector_store %arg2[%swap3A, %swap3A_45], %swap3A_48 {strides = array<i32>} : memref<1x100000xf32, #tpu.memory_space<vmem>>, vector<1x100000xf32>,
    return
  }
}

</mosaic_0001>

<sc_bundles>
// kernel: gather_offload_async_start.1
scs
__scs_entry_jumppad:
0x0: {  	(pc) =	sbr.rel $0x88, $3  }
0x1: {  	(tag) =	ssettag $0x0;
	lr =	simm.s32 $0x1  }
0x2: {  	[smem:$0x3F9E] =	sst lr;
	_ =	strace $0xD0000000  }
0x3: {  	_ = 	snop  }
0x4: {  	_ = 	snop  }
0x5: {  	_ = 	snop  }
0x6: {  	_ = 	snop  }
0x7: {  	_ = 	snop  }
__scs_overlays_trampoline_lowered:
0x8: {  	[smem:$0x3FAD] =	sst s0  }
0x9: {  	[smem:$0x3FAE] =	sst s1  }
0xa: {  	[smem:$0x3FAF] =	sst s2  }
0xb: {  	[smem:$0x3FB0] =	sst s3  }
0xc: {  	[smem:$0x3FB1] =	sst s4  }
0xd: {  	[smem:$0x3FB2] =	sst s5  }
0xe: {  	[smem:$0x3FB3] =	sst s6  }
0xf: {  	[smem:$0x3FB4] =	sst s7  }
0x10: {  	[smem:$0x3FB5] =	sst s8  }
0x11: {  	[smem:$0x3FB6] =	sst s9;
	s0 =	simm.s32 @!p0 $0x0  }
0x12: {  	s1 =	sld [smem:$0x3F9C];
	s0 =	simm.s32 @p0 $0x1  }
0x13: {  	[smem:$0x3FB7] =	sst s0;
	s0 =	simm.s32 @!p1 $0x0  }
0x14: {  	s2 =	sld [smem:$0x3F9B];
	s0 =	simm.s32 @p1 $0x1  }
0x15: {  	[smem:$0x3FB8] =	sst s0;
	s0 =	simm.s32 @!p2 $0x0  }
0x16: {  	s3 =	sld [smem:$0x3FDB];
	s0 =	simm.s32 @p2 $0x1  }
0x17: {  	s4 =	simm.s32 $0x1BF5;
	[smem:$0x3FBA] =	sst s0  }
0x18: {  	s0 =	sld [smem:$0x3F9D];
	_ =	swait.ge [sflag:s4], $0x0  }
0x19: {  	s7 =	sld [smem:$0x3F9E]  }
0x1a: {  	s8 =	sadd.s32 $0xFFFFE003, lr  }
0x1b: {  	s9 =	sadd.s32 $0xFFFFFEF7, lr;
	s5 =	simm.s32 $0xFFFFFFFF;
	p2 =	slt.u32 s8, $0xFFFFF086  }
0x1c: {  	p1 =	slt.u32 s9, $0xF7A;
	s5 =	simm.s32 @!p2 $0x0  }
0x1d: {  	s5 =	simm.s32 @p1 $0x1;
	p0 =	seq.s32 s7, s2  }
0x1e: {  	s7 =	smul.u32 @!p0 $0xF7A, s2;
	p2 =	seq.s32 @!p0 s5, $0x0  }
0x1f: {  	s9 =	smul.u32 $0xF7A, s1;
	s8 =	simm.s32 @!p0 $0x1BF5;
	p2 =	por !p2, p0  }
0x20: {  	[sflag:s8] =	ssyncset.s32 @!p0 $0xFFFFF086;
	s6 =	sadd.s32 @!p0 s3, s7;
	s7 =	simm.s32 @!p0 $0x108  }
0x21: {  	s3 =	sadd.s32 s3, s9;
	s6 =	sadd.s32 @!p0 $0x88, s6;
	s7 =	simm.s32 @p2 $0x1082  }
0x22: {  	[simem:s7], [sflag:s8] =	dma.local @!p0 [hbm:s6], $0xF7A  }
0x23: {  	s9 =	sor.u32 $0xD0000000, s2;
	s6 =	simm.s32 $0x108;
	_ =	swait.ge @!p0 [sflag:s8], $0x0  }
0x24: {  	s3 =	sadd.s32 $0x88, s3;
	s6 =	simm.s32 @!p1 $0x1082;
	[sflag:s4] =	ssyncset.s32 $0xFFFFF086  }
0x25: {  	[simem:s6], [sflag:s4] =	dma.local [hbm:s3], $0xF7A  }
0x26: {  	[smem:$0x3F9E] =	sst s1;
	(tag) =	ssettag s2;
	_ =	strace s9  }
0x27: {  	s1 =	sld [smem:$0x3FAE]  }
0x28: {  	s2 =	sld [smem:$0x3FAF]  }
0x29: {  	s4 =	sld [smem:$0x3FB1]  }
0x2a: {  	p0 =	seq.s32 s5, $0x0;
	s5 =	sld [smem:$0x3FB2]  }
0x2b: {  	s6 =	sld [smem:$0x3FB3]  }
0x2c: {  	s7 =	sld [smem:$0x3FB4]  }
0x2d: {  	s3 =	simm.s32 $0x108;
	s8 =	sld [smem:$0x3FB5]  }
0x2e: {  	s3 =	simm.s32 @!p0 $0x1082;
	s9 =	sld [smem:$0x3FB6]  }
0x2f: {  	lr =	sadd.s32 s0, s3;
	s0 =	sld [smem:$0x3FAD]  }
0x30: {  	s3 =	sld [smem:$0x3FB0]  }
0x31: {  	[smem:$0x3FB9] =	sst s10  }
0x32: {  	s10 =	sld [smem:$0x3FB7];
	_ =	sdelay $0x3  }
0x33: {  	p0 =	seq.s32 s10, $0x1;
	s10 =	sld [smem:$0x3FB9];
	_ =	sdelay $0x3  }
0x34: {  	[smem:$0x3FB9] =	sst s10  }
0x35: {  	s10 =	sld [smem:$0x3FB8];
	_ =	sdelay $0x3  }
0x36: {  	p1 =	seq.s32 s10, $0x1;
	s10 =	sld [smem:$0x3FB9];
	_ =	sdelay $0x3  }
0x37: {  	[smem:$0x3FB9] =	sst s10  }
0x38: {  	s10 =	sld [smem:$0x3FBA]  }
0x39: {  	_ = 	snop;
	(pc) =	sbr.ind lr, $3  }
0x3a: {  	_ = 	snop  }
0x3b: {  	_ = 	snop  }
0x3c: {  	p2 =	seq.s32 s10, $0x1;
	s10 =	sld [smem:$0x3FB9]  }
0x3d: {  	_ =	shalt  }
0x3e: {  	_ =	shalt  }
0x3f: {  	_ =	shalt  }
0x40: {  	_ =	shalt  }
0x41: {  	_ =	shalt  }
0x42: {  	_ =	shalt  }
0x43: {  	_ =	shalt  }
0x44: {  	_ =	shalt  }
0x45: {  	_ =	shalt  }
0x46: {  	_ =	shalt  }
0x47: {  	_ =	shalt  }
0x48: {  	_ =	shalt  }
0x49: {  	_ =	shalt  }
0x4a: {  	_ =	shalt  }
0x4b: {  	_ =	shalt  }
0x4c: {  	_ =	shalt  }
0x4d: {  	_ =	shalt  }
0x4e: {  	_ =	shalt  }
0x4f: {  	_ =	shalt  }
0x50: {  	_ =	shalt  }
0x51: {  	_ =	shalt  }
0x52: {  	_ =	shalt  }
0x53: {  	_ =	shalt  }
0x54: {  	_ =	shalt  }
0x55: {  	_ =	shalt  }
0x56: {  	_ =	shalt  }
0x57: {  	_ =	shalt  }
0x58: {  	_ =	shalt  }
0x59: {  	_ =	shalt  }
0x5a: {  	_ =	shalt  }
0x5b: {  	_ =	shalt  }
0x5c: {  	_ =	shalt  }
0x5d: {  	_ =	shalt  }
0x5e: {  	_ =	shalt  }
0x5f: {  	_ =	shalt  }
0x60: {  	_ =	shalt  }
0x61: {  	_ =	shalt  }
0x62: {  	_ =	shalt  }
0x63: {  	_ =	shalt  }
0x64: {  	_ =	shalt  }
0x65: {  	_ =	shalt  }
0x66: {  	_ =	shalt  }
0x67: {  	_ =	shalt  }
0x68: {  	_ =	shalt  }
0x69: {  	_ =	shalt  }
0x6a: {  	_ =	shalt  }
0x6b: {  	_ =	shalt  }
0x6c: {  	_ =	shalt  }
0x6d: {  	_ =	shalt  }
0x6e: {  	_ =	shalt  }
0x6f: {  	_ =	shalt  }
0x70: {  	_ =	shalt  }
0x71: {  	_ =	shalt  }
0x72: {  	_ =	shalt  }
0x73: {  	_ =	shalt  }
0x74: {  	_ =	shalt  }
0x75: {  	_ =	shalt  }
0x76: {  	_ =	shalt  }
0x77: {  	_ =	shalt  }
0x78: {  	_ =	shalt  }
0x79: {  	_ =	shalt  }
0x7a: {  	_ =	shalt  }
0x7b: {  	_ =	shalt  }
0x7c: {  	_ =	shalt  }
0x7d: {  	_ =	shalt  }
0x7e: {  	_ =	shalt  }
0x7f: {  	_ =	shalt  }
0x80: {  	_ =	shalt  }
0x81: {  	_ =	shalt  }
0x82: {  	_ =	shalt  }
0x83: {  	_ =	shalt  }
0x84: {  	_ =	shalt  }
0x85: {  	_ =	shalt  }
0x86: {  	_ =	shalt  }
0x87: {  	_ =	shalt  }
.Lfunc_end0:
.L_simem_size_0:
called_computation.1_lowered:
.L_overlay_start_0:
0x88: {  	s0 =	sld [smem:$0x3FD9]  }
0x89: {  	s1 =	sld [smem:$0x3FFE];
	_ =	sdelay $0x3  }
0x8a: {  	s0 =	sadd.s32 s1, s0  }
0x8b: {  	[smem:$0x3FC5] =	sst s0  }
0x8c: {  	_ = 	snop  }
0x8d: {  	s0 =	sld [smem:$0x3FD0];
	_ =	sdelay $0x2  }
0x8e: {  	s13 =	simm.s32 $0xB;
	s2 =	simm.s32 $0x10  }
0x8f: {  	[smem:s2], [sflag:s13] =	dma.local [hbm:s0], $0x1  }
0x90: {  	_ =	swait.eq [sflag:s13], $0x1  }
0x91: {  	[sflag:s13] =	ssyncset.done $0x0  }
0x92: {  	[sflag:s13] =	ssyncadd.s32 $0xFFFFFFFF  }
0x93: {  	s14 =	sld [smem:$0x10];
	(tm) =	ssettm $0x1  }
0x94: {  	s15 =	sld [smem:$0x3FFB];
	_ =	sdelay $0x3  }
0x95: {  	_ =	strace s15  }
0x96: {  	s1 =	sld [smem:$0x3FFC];
	_ =	sdelay $0x3  }
0x97: {  	_ =	strace s1  }
0x98: {  	s1 =	sld [smem:$0x3FFD];
	_ =	sdelay $0x3  }
0x99: {  	_ =	strace s1  }
0x9a: {  	_ =	strace $0x8FFFFFFF  }
0x9b: {  	s16 =	sld [smem:$0x3FDB];
	_ =	sdelay $0x1  }
0x9c: {  	s17 =	simm.s32 $_scs_section_size  }
0x9d: {  	s3 =	simm.s32 $_size__tile_overlayer_lowered;
	s4 =	simm.s32 $_tile_overlayer_lowered  }
0x9e: {  	s20 =	simm.s32 $0x1BFF;
	s19 =	sshll.u32 s4, $0x1;
	s1 =	sadd.s32 s17, s16  }
0x9f: {  	s5 =	simm.s32 $0x0;
	s18 =	sshll.u32 s3, $0x1;
	s3 =	sadd.s32 s19, s1  }
0xa0: {  	[timem:s5], [sflag:s20] =	dma.local [hbm:s3], s18  }
0xa1: {  	_ =	swait.ge [sflag:s20], s18  }
0xa2: {  	s2 =	ssub.s32 $0x0, s18;
	[sflag:s20] =	ssyncset.done $0x0  }
0xa3: {  	[sflag:s20] =	ssyncadd.s32 s2;
	_ =	sdelay $0x1  }
0xa4: {  	s21 =	simm.s32 $0x1B8B  }
0xa5: {  	_ =	swait.ge [sflag:s21], $0x1  }
0xa6: {  	[sflag:s21] =	ssyncset.done $0x0  }
0xa7: {  	s23 =	simm.s32 $0x1B8E;
	s22 =	sld [smem:$0x3FFE];
	[sflag:s21] =	ssyncadd.s32 $0xFFFFFFFF  }
0xa8: {  	s24 =	simm.s32 $execute0_lowered;
	[smem:$0x3FD2] =	sst s23  }
0xa9: {  	s3 =	sshll.u32 s24, $0x1;
	_ =	strace $0x80000046;
	[dreg:$0x1] =	wrdreg $0xFFFFFFFF  }
0xaa: {  	s25 =	simm.s32 $_size_execute0_lowered;
	s1 =	sadd.s32 s1, s3;
	[dreg:$0x0] =	wrdreg $0x0  }
0xab: {  	s3 =	sshll.u32 s25, $0x1;
	[dreg:$0x2] =	wrdreg s1  }
0xac: {  	[dreg:$0x3] =	wrdreg s3  }
0xad: {  	[dreg:$0x4] =	wrdreg $0xC0  }
0xae: {  	_ =	task [dreg:s5], $0x5FFFF  }
0xaf: {  	[dreg:$0x1] =	wrdreg $0xFFFFFFFF  }
0xb0: {  	[dreg:$0x0] =	wrdreg $0x60  }
0xb1: {  	[dreg:$0x2] =	wrdreg s22  }
0xb2: {  	[dreg:$0x3] =	wrdreg s14  }
0xb3: {  	[dreg:$0x4] =	wrdreg $0xA  }
0xb4: {  	_ =	task.clear_ibuf [dreg:s5], $0x5FFFF;
	_ =	strace $0x90000046  }
0xb5: {  	s26 =	simm.s32 $0xA;
	_ =	strace $0x80000048  }
0xb6: {  	_ =	swait.ge [sflag:s26], $0x1  }
0xb7: {  	[sflag:s26] =	ssyncadd.s32 $0xFFFFFFFF  }
0xb8: {  	_ =	strace $0x90000048  }
0xb9: {  	_ =	sfence  }
0xba: {  	s28 =	sld [smem:$0x0];
	_ =	sdelay $0x1  }
0xbb: {  	s29 =	srdreg.scid  }
0xbc: {  	s30 =	sshll.u32 s29, $0xD;
	s31 =	sshrl.u32 s29, $0x2  }
0xbd: {  	s2 =	sand.u32 $0x4000, s30;
	s1 =	sand.u32 $0x1, s29;
	s0 =	sadd.s32 s31, s28  }
0xbe: {  	s1 =	sor.u32 s2, s1;
	s0 =	sshll.u32 s0, $0x11  }
0xbf: {  	s0 =	sor.u32 s0, s1  }
0xc0: {  	s0 =	sadd.s32 $0x8F2B, s0  }
0xc1: {  	[sflag:s0] =	ssyncadd.remote.s32 $0x1  }
0xc2: {  	_ =	sfence.sel $0xFFFF  }
0xc3: {  	[dreg:$0x0] =	wrdreg $0xFFFFFFFF;
	(pc) =	sbr.abs _section_cstart, $3  }
0xc4: {  	[dreg:$0x1] =	wrdreg $0xFFFFFFFF  }
0xc5: {  	_ =	task.clear_ibuf [dreg:s5], $0x2FFFF;
	_ =	strace $0x9FFFFFFF  }
0xc6: {  	(tm) =	ssettm $0x7FFFFFFF  }
0xc7: {  	_ =	shalt  }
tec
execute0_lowered:
.L_overlay_start_1:
0x0: {  	(tag) =	ssettag $0x1  }
0x1: {  	s8 =	rddreg [dreg:$0x0]  }
0x2: {  	s2 =	rddreg [dreg:$0x1]  }
0x3: {  	s0 =	rddreg [dreg:$0x2]  }
0x4: {  	_ =	strace $0x80000047;
	s4 =	simm.s32 $0x1;
	s1 =	stileid.u32  }
0x5: {  	s7 =	simm.s32 $0x1;
	s9 =	simm.s32 $0x1;
	s6 =	simm.s32 $0x2  }
0x6: {  	s10 =	simm.s32 $0x3;
	s13 =	simm.s32 $0x0;
	s12 =	simm.s32 $0x0  }
.Ltmp0:
0x7: {  	s3 =	sadd.s32 $0x186A00, s8;
	p0 =	slt.u32 s1, $0xA;
	(pc) =	sbr.rel .LBB2_1-.Ltmp0, $4  }
0x8: {  	[sflag:s4] =	ssyncpa.u1 $0x0;
	s7 =	simm.s32 @!p0 $0x0;
	p0 =	sne.s32 s1, $0x9  }
0x9: {  	s5 =	smul.u32 $0x7D0, s1;
	[sflag:s6] =	ssyncpa.u1 $0x0;
	s9 =	simm.s32 @!p0 $0x0  }
0xa: {  	s8 =	sadd.s32 $0x1BAA00, s8;
	[sflag:s10] =	ssyncpa.u1 $0x0;
	s7 =	sadd.s32 s9, s7  }
0xb: {  	vm0 =	vmmov $0xffff;
	s10 =	simm.s32 $0x0;
	s11 =	smov.u32 s5;
	s9 =	sadd.s32 $0x1, s7  }
.LBB2_4:
0xc: {  	v2 =	vnsel vm1, $0x0, v2  }
0xd: {  	vm1 =	vgt.s32 v0, $0x0;
	v2 =	vmin.u32 v2, $0x1869F  }
0xe: {  	v0 =	vnsel vm1, $0x0, v0  }
0xf: {  	v0 =	vmin.u32 v0, $0x1869F  }
0x10: {  	[tilespmem:s18], [sflag:$0x1] =	stream.indirect_vreg.gather [hbm4b:s3+s10], $0x1, v1, vm0, $0x4038;
	[tilespmem:$0x1F40] =	vst v63  }
0x11: {  	(ifvalue) =	ssetifvalue $0x7FFFFFFF  }
0x12: {  	[tilespmem:s15], [sflag:$0x1] =	stream.indirect_vreg.gather [hbm4b:s3+s10], $0x1, v2, vm0, $0x4038;
	[tilespmem:$0x1F40] =	vst v63  }
0x13: {  	s29 =	sadd.s32 $0x10, s15;
	(ifvalue) =	ssetifvalue $0x7FFFFFFF  }
0x14: {  	[tilespmem:s29], [sflag:$0x1] =	stream.indirect_vreg.gather [hbm4b:s3+s10], $0x1, v0, vm0, $0x4038;
	[tilespmem:$0x1F40] =	vst v63  }
0x15: {  	_ =	swait.ge [sflag:s4], $0x7D0  }
0x16: {  	s30 =	sshrl.u32 s13, $0x3;
	[sflag:s4] =	ssyncset.done $0x0  }
0x17: {  	s31 =	sand.u32 $0x7, s13;
	s15 =	sadd.s32 s8, s30;
	[sflag:s4] =	ssyncadd.s32 $0xFFFFF830  }
0x18: {  	[hbm4b:s15+s31] =	stream.linear.scatter [tilespmem:s14], [sflag:$0x3], $0x7D0, $0x38;
	[tilespmem:$0x1F40] =	vst v63  }
.LBB2_5:
0x19: {  	s15 =	sadd.s32 $0x7D00, s11  }
0x1a: {  	p1 =	sgt.s32 s15, $0xC34F  }
0x1b: {  	s15 =	smov.u32 @p1 s5;
	p1 =	sne.s32 s12, s9  }
.Ltmp1:
0x1c: {  	p0 =	slt.u32 s12, $0x2;
	(pc) =	sbr.rel @!p1 .LBB2_6-.Ltmp1, $4  }
0x1d: {  	s14 =	simm.s32 @!p0 $0x3  }
0x1e: {  	_ =	swait.ge @!p0 [sflag:s14], $0x7D0  }
0x1f: {  	s16 =	sadd.s32 $0x1, s12;
	s13 =	smov.u32 s11;
	[sflag:s14] =	ssyncset.done @!p0 $0x0  }
0x20: {  	s12 =	smov.u32 s16;
	s11 =	smov.u32 s15;
	[sflag:s14] =	ssyncadd.s32 @!p0 $0xFFFFF830  }
.LBB2_1:
0x21: {  	p0 =	sge.u32 s12, s7  }
0x22: {  	s14 =	sxor.u32 @!p0 $0x1, s12  }
0x23: {  	s14 =	smul.u32 @!p0 $0x1F40, s14  }
0x24: {  	s31 =	sadd.s32 $0xFFFFFFFF, s12;
	s15 =	sshrl.u32 @!p0 s11, $0x3  }
0x25: {  	s16 =	sand.u32 @!p0 $0x7, s11;
	s15 =	sadd.s32 @!p0 s2, s15;
	s14 =	sshra.s32 @!p0 s14, $0x2  }
0x26: {  	[tilespmem:s14], [sflag:$0x2] =	stream.linear.gather @!p0 [hbm4b:s15+s16], $0x7D0, $0x38;
	[tilespmem:$0x1F40] =	vst v63  }
0x27: {  	p0 =	sge.u32 s31, s7  }
.Ltmp2:
0x28: {  	_ = 	snop;
	(pc) =	sbr.rel @p0 .LBB2_5-.Ltmp2, $1  }
0x29: {  	_ =	sdelay $0x3  }
0x2a: {  	s14 =	sand.u32 $0x1, s12  }
0x2b: {  	_ =	swait.ge [sflag:s6], $0x7D0;
	p0 =	seq.s32 s14, $0x1;
	s14 =	simm.s32 $0x7D0  }
0x2c: {  	[sflag:s6] =	ssyncset.done $0x0;
	s14 =	simm.s32 @!p0 $0x0  }
0x2d: {  	[sflag:s6] =	ssyncadd.s32 $0xFFFFF830;
	(ifvalue) =	ssetifvalue $0x7FFFFFFF;
	v0 =	vld.msk [tilespmem:s14+$0x0 ss:$0x1], $0xffff;
	_ =	sdelay $0x4  }
0x2e: {  	s15 =	sadd.s32 $0x10, s14;
	vm1 =	vgt.s32 v0, $0x0  }
0x2f: {  	v2 =	vld.msk [tilespmem:s15+$0x0 ss:$0x1], $0xffff;
	v1 =	vnsel vm1, $0x0, v0  }
0x30: {  	v1 =	vmin.u32 v1, $0x1869F;
	_ =	sdelay $0x2  }
0x31: {  	s17 =	simm.s32 $0x20;
	s14 =	sadd.s32 $0xFA0, s14;
	s16 =	sadd.s32 $0x10, s15  }
0x32: {  	s15 =	sadd.s32 $0x10, s14;
	s18 =	smov.u32 s14;
	v0 =	vld.msk [tilespmem:s16+$0x0 ss:$0x1], $0xffff;
	vm1 =	vgt.s32 v2, $0x0;
	(ifvalue) =	ssetifvalue $0x7FFFFFFF  }
.LBB2_3:
0x33: {  	[tilespmem:s18], [sflag:$0x1] =	stream.indirect_vreg.gather [hbm4b:s3+s10], $0x1, v1, vm0, $0x4038;
	[tilespmem:$0x1F40] =	vst v63  }
0x34: {  	s17 =	sadd.s32 $0x10, s17  }
0x35: {  	v2 =	vnsel vm1, $0x0, v2;
	p0 =	slt.u32 s17, $0x7C0  }
.Ltmp3:
0x36: {  	s18 =	smov.u32 s15;
	v1 =	vmin.u32 v2, $0x1869F;
	(pc) =	sbr.rel @p0 .LBB2_3-.Ltmp3, $3  }
0x37: {  	_ =	sdelay $0x1  }
0x38: {  	s16 =	sadd.s32 $0x10, s16  }
0x39: {  	vm1 =	vgt.s32 v0, $0x0;
	s15 =	sadd.s32 $0x10, s15;
	v2 =	vmov v0;
	(ifvalue) =	ssetifvalue $0x7FFFFFFF;
	v0 =	vld.msk [tilespmem:s16+$0x0 ss:$0x1], $0xffff  }
.Ltmp4:
0x3a: {  	_ = 	snop;
	(pc) =	sbr.rel .LBB2_4-.Ltmp4, $1  }
0x3b: {  	_ =	sdelay $0x3  }
.LBB2_6:
0x3c: {  	_ =	sfence.sel $0x180000  }
0x3d: {  	s2 =	simm.s32 $0x2;
	[bflag:$0x0] =	sbarrier.arrive $0xFFFF  }
0x3e: {  	s30 =	simm.s32 $0x3;
	[sflag:s2] =	ssyncpa.u1 $0x1  }
0x3f: {  	s31 =	simm.s32 $0x1;
	[sflag:s30] =	ssyncpa.u1 $0x1  }
0x40: {  	[sflag:s31] =	ssyncpa.u1 $0x1  }
0x41: {  	p0 =	sne.s32 s1, $0x0;
	_ =	strace $0x90000047  }
0x42: {  	s0 =	sadd.s32 @!p0 $0x100000, s0;
	[bflag:$0x2] =	sbarrier.arrive $0xFFFF  }
0x43: {  	[sflag:s0] =	ssyncadd.tile.s32 @!p0 $0x1;
	_ =	shalt  }
.Lfunc_end2:
_tile_overlayer_lowered:
.L_overlay_start_2:
0x44: {  	(tag) =	ssettag $0x2  }
0x45: {  	s0 =	rddreg [dreg:$0x0];
	s2 =	stileid.u32  }
0x46: {  	s1 =	rddreg [dreg:$0x1];
	p0 =	sne.s32 s2, $0x0  }
0x47: {  	s3 =	rddreg [dreg:$0x2];
	[bflag:$0x3] =	sbarrier.arrive $0xFFFF;
	s2 =	simm.s32 @!p0 $0x1C01  }
0x48: {  	[timem:s3], [sflag:s2] =	dma.local @!p0 [hbm:s0], s1  }
0x49: {  	s0 =	simm.s32 @!p0 $0x1  }
0x4a: {  	_ =	swait.ge @!p0 [sflag:s0], s1  }
0x4b: {  	s1 =	ssub.s32 @!p0 $0x0, s1;
	[sflag:s0] =	ssyncset.done @!p0 $0x0  }
0x4c: {  	[sflag:s0] =	ssyncadd.s32 @!p0 s1  }
0x4d: {  	[bflag:$0x3] =	sbarrier.arrive $0xFFFF  }
0x4e: {  	_ =	shalt  }

// kernel: gather_offload_async_start
scs
__scs_entry_jumppad:
0x0: {  	(pc) =	sbr.rel $0x88, $3  }
0x1: {  	(tag) =	ssettag $0x0;
	lr =	simm.s32 $0x1  }
0x2: {  	[smem:$0x3F9E] =	sst lr;
	_ =	strace $0xD0000000  }
0x3: {  	_ = 	snop  }
0x4: {  	_ = 	snop  }
0x5: {  	_ = 	snop  }
0x6: {  	_ = 	snop  }
0x7: {  	_ = 	snop  }
__scs_overlays_trampoline_lowered:
0x8: {  	[smem:$0x3FAD] =	sst s0  }
0x9: {  	[smem:$0x3FAE] =	sst s1  }
0xa: {  	[smem:$0x3FAF] =	sst s2  }
0xb: {  	[smem:$0x3FB0] =	sst s3  }
0xc: {  	[smem:$0x3FB1] =	sst s4  }
0xd: {  	[smem:$0x3FB2] =	sst s5  }
0xe: {  	[smem:$0x3FB3] =	sst s6  }
0xf: {  	[smem:$0x3FB4] =	sst s7  }
0x10: {  	[smem:$0x3FB5] =	sst s8  }
0x11: {  	[smem:$0x3FB6] =	sst s9;
	s0 =	simm.s32 @!p0 $0x0  }
0x12: {  	s1 =	sld [smem:$0x3F9C];
	s0 =	simm.s32 @p0 $0x1  }
0x13: {  	[smem:$0x3FB7] =	sst s0;
	s0 =	simm.s32 @!p1 $0x0  }
0x14: {  	s2 =	sld [smem:$0x3F9B];
	s0 =	simm.s32 @p1 $0x1  }
0x15: {  	[smem:$0x3FB8] =	sst s0;
	s0 =	simm.s32 @!p2 $0x0  }
0x16: {  	s3 =	sld [smem:$0x3FDB];
	s0 =	simm.s32 @p2 $0x1  }
0x17: {  	s4 =	simm.s32 $0x1BF5;
	[smem:$0x3FBA] =	sst s0  }
0x18: {  	s0 =	sld [smem:$0x3F9D];
	_ =	swait.ge [sflag:s4], $0x0  }
0x19: {  	s7 =	sld [smem:$0x3F9E]  }
0x1a: {  	s8 =	sadd.s32 $0xFFFFE003, lr  }
0x1b: {  	s9 =	sadd.s32 $0xFFFFFEF7, lr;
	s5 =	simm.s32 $0xFFFFFFFF;
	p2 =	slt.u32 s8, $0xFFFFF086  }
0x1c: {  	p1 =	slt.u32 s9, $0xF7A;
	s5 =	simm.s32 @!p2 $0x0  }
0x1d: {  	s5 =	simm.s32 @p1 $0x1;
	p0 =	seq.s32 s7, s2  }
0x1e: {  	s7 =	smul.u32 @!p0 $0xF7A, s2;
	p2 =	seq.s32 @!p0 s5, $0x0  }
0x1f: {  	s9 =	smul.u32 $0xF7A, s1;
	s8 =	simm.s32 @!p0 $0x1BF5;
	p2 =	por !p2, p0  }
0x20: {  	[sflag:s8] =	ssyncset.s32 @!p0 $0xFFFFF086;
	s6 =	sadd.s32 @!p0 s3, s7;
	s7 =	simm.s32 @!p0 $0x108  }
0x21: {  	s3 =	sadd.s32 s3, s9;
	s6 =	sadd.s32 @!p0 $0x88, s6;
	s7 =	simm.s32 @p2 $0x1082  }
0x22: {  	[simem:s7], [sflag:s8] =	dma.local @!p0 [hbm:s6], $0xF7A  }
0x23: {  	s9 =	sor.u32 $0xD0000000, s2;
	s6 =	simm.s32 $0x108;
	_ =	swait.ge @!p0 [sflag:s8], $0x0  }
0x24: {  	s3 =	sadd.s32 $0x88, s3;
	s6 =	simm.s32 @!p1 $0x1082;
	[sflag:s4] =	ssyncset.s32 $0xFFFFF086  }
0x25: {  	[simem:s6], [sflag:s4] =	dma.local [hbm:s3], $0xF7A  }
0x26: {  	[smem:$0x3F9E] =	sst s1;
	(tag) =	ssettag s2;
	_ =	strace s9  }
0x27: {  	s1 =	sld [smem:$0x3FAE]  }
0x28: {  	s2 =	sld [smem:$0x3FAF]  }
0x29: {  	s4 =	sld [smem:$0x3FB1]  }
0x2a: {  	p0 =	seq.s32 s5, $0x0;
	s5 =	sld [smem:$0x3FB2]  }
0x2b: {  	s6 =	sld [smem:$0x3FB3]  }
0x2c: {  	s7 =	sld [smem:$0x3FB4]  }
0x2d: {  	s3 =	simm.s32 $0x108;
	s8 =	sld [smem:$0x3FB5]  }
0x2e: {  	s3 =	simm.s32 @!p0 $0x1082;
	s9 =	sld [smem:$0x3FB6]  }
0x2f: {  	lr =	sadd.s32 s0, s3;
	s0 =	sld [smem:$0x3FAD]  }
0x30: {  	s3 =	sld [smem:$0x3FB0]  }
0x31: {  	[smem:$0x3FB9] =	sst s10  }
0x32: {  	s10 =	sld [smem:$0x3FB7];
	_ =	sdelay $0x3  }
0x33: {  	p0 =	seq.s32 s10, $0x1;
	s10 =	sld [smem:$0x3FB9];
	_ =	sdelay $0x3  }
0x34: {  	[smem:$0x3FB9] =	sst s10  }
0x35: {  	s10 =	sld [smem:$0x3FB8];
	_ =	sdelay $0x3  }
0x36: {  	p1 =	seq.s32 s10, $0x1;
	s10 =	sld [smem:$0x3FB9];
	_ =	sdelay $0x3  }
0x37: {  	[smem:$0x3FB9] =	sst s10  }
0x38: {  	s10 =	sld [smem:$0x3FBA]  }
0x39: {  	_ = 	snop;
	(pc) =	sbr.ind lr, $3  }
0x3a: {  	_ = 	snop  }
0x3b: {  	_ = 	snop  }
0x3c: {  	p2 =	seq.s32 s10, $0x1;
	s10 =	sld [smem:$0x3FB9]  }
0x3d: {  	_ =	shalt  }
0x3e: {  	_ =	shalt  }
0x3f: {  	_ =	shalt  }
0x40: {  	_ =	shalt  }
0x41: {  	_ =	shalt  }
0x42: {  	_ =	shalt  }
0x43: {  	_ =	shalt  }
0x44: {  	_ =	shalt  }
0x45: {  	_ =	shalt  }
0x46: {  	_ =	shalt  }
0x47: {  	_ =	shalt  }
0x48: {  	_ =	shalt  }
0x49: {  	_ =	shalt  }
0x4a: {  	_ =	shalt  }
0x4b: {  	_ =	shalt  }
0x4c: {  	_ =	shalt  }
0x4d: {  	_ =	shalt  }
0x4e: {  	_ =	shalt  }
0x4f: {  	_ =	shalt  }
0x50: {  	_ =	shalt  }
0x51: {  	_ =	shalt  }
0x52: {  	_ =	shalt  }
0x53: {  	_ =	shalt  }
0x54: {  	_ =	shalt  }
0x55: {  	_ =	shalt  }
0x56: {  	_ =	shalt  }
0x57: {  	_ =	shalt  }
0x58: {  	_ =	shalt  }
0x59: {  	_ =	shalt  }
0x5a: {  	_ =	shalt  }
0x5b: {  	_ =	shalt  }
0x5c: {  	_ =	shalt  }
0x5d: {  	_ =	shalt  }
0x5e: {  	_ =	shalt  }
0x5f: {  	_ =	shalt  }
0x60: {  	_ =	shalt  }
0x61: {  	_ =	shalt  }
0x62: {  	_ =	shalt  }
0x63: {  	_ =	shalt  }
0x64: {  	_ =	shalt  }
0x65: {  	_ =	shalt  }
0x66: {  	_ =	shalt  }
0x67: {  	_ =	shalt  }
0x68: {  	_ =	shalt  }
0x69: {  	_ =	shalt  }
0x6a: {  	_ =	shalt  }
0x6b: {  	_ =	shalt  }
0x6c: {  	_ =	shalt  }
0x6d: {  	_ =	shalt  }
0x6e: {  	_ =	shalt  }
0x6f: {  	_ =	shalt  }
0x70: {  	_ =	shalt  }
0x71: {  	_ =	shalt  }
0x72: {  	_ =	shalt  }
0x73: {  	_ =	shalt  }
0x74: {  	_ =	shalt  }
0x75: {  	_ =	shalt  }
0x76: {  	_ =	shalt  }
0x77: {  	_ =	shalt  }
0x78: {  	_ =	shalt  }
0x79: {  	_ =	shalt  }
0x7a: {  	_ =	shalt  }
0x7b: {  	_ =	shalt  }
0x7c: {  	_ =	shalt  }
0x7d: {  	_ =	shalt  }
0x7e: {  	_ =	shalt  }
0x7f: {  	_ =	shalt  }
0x80: {  	_ =	shalt  }
0x81: {  	_ =	shalt  }
0x82: {  	_ =	shalt  }
0x83: {  	_ =	shalt  }
0x84: {  	_ =	shalt  }
0x85: {  	_ =	shalt  }
0x86: {  	_ =	shalt  }
0x87: {  	_ =	shalt  }
.Lfunc_end0:
.L_simem_size_0:
called_computation_lowered:
.L_overlay_start_0:
0x88: {  	s0 =	sld [smem:$0x3FD9]  }
0x89: {  	s1 =	sld [smem:$0x3FFE];
	_ =	sdelay $0x3  }
0x8a: {  	s0 =	sadd.s32 s1, s0  }
0x8b: {  	[smem:$0x3FC5] =	sst s0  }
0x8c: {  	_ = 	snop  }
0x8d: {  	s0 =	sld [smem:$0x3FD0];
	_ =	sdelay $0x2  }
0x8e: {  	s13 =	simm.s32 $0xB;
	s2 =	simm.s32 $0x10  }
0x8f: {  	[smem:s2], [sflag:s13] =	dma.local [hbm:s0], $0x1  }
0x90: {  	_ =	swait.eq [sflag:s13], $0x1  }
0x91: {  	[sflag:s13] =	ssyncset.done $0x0  }
0x92: {  	[sflag:s13] =	ssyncadd.s32 $0xFFFFFFFF  }
0x93: {  	s14 =	sld [smem:$0x10];
	(tm) =	ssettm $0x1  }
0x94: {  	s15 =	sld [smem:$0x3FFB];
	_ =	sdelay $0x3  }
0x95: {  	_ =	strace s15  }
0x96: {  	s1 =	sld [smem:$0x3FFC];
	_ =	sdelay $0x3  }
0x97: {  	_ =	strace s1  }
0x98: {  	s1 =	sld [smem:$0x3FFD];
	_ =	sdelay $0x3  }
0x99: {  	_ =	strace s1  }
0x9a: {  	_ =	strace $0x8FFFFFFF  }
0x9b: {  	s16 =	sld [smem:$0x3FDB];
	_ =	sdelay $0x1  }
0x9c: {  	s17 =	simm.s32 $_scs_section_size  }
0x9d: {  	s3 =	simm.s32 $_size__tile_overlayer_lowered;
	s4 =	simm.s32 $_tile_overlayer_lowered  }
0x9e: {  	s20 =	simm.s32 $0x1BFF;
	s19 =	sshll.u32 s4, $0x1;
	s1 =	sadd.s32 s17, s16  }
0x9f: {  	s5 =	simm.s32 $0x0;
	s18 =	sshll.u32 s3, $0x1;
	s3 =	sadd.s32 s19, s1  }
0xa0: {  	[timem:s5], [sflag:s20] =	dma.local [hbm:s3], s18  }
0xa1: {  	_ =	swait.ge [sflag:s20], s18  }
0xa2: {  	s2 =	ssub.s32 $0x0, s18;
	[sflag:s20] =	ssyncset.done $0x0  }
0xa3: {  	[sflag:s20] =	ssyncadd.s32 s2;
	_ =	sdelay $0x1  }
0xa4: {  	s21 =	simm.s32 $0x1B8B  }
0xa5: {  	_ =	swait.ge [sflag:s21], $0x1  }
0xa6: {  	[sflag:s21] =	ssyncset.done $0x0  }
0xa7: {  	s23 =	simm.s32 $0x1B8E;
	s22 =	sld [smem:$0x3FFE];
	[sflag:s21] =	ssyncadd.s32 $0xFFFFFFFF  }
0xa8: {  	s24 =	simm.s32 $execute0_lowered;
	[smem:$0x3FD2] =	sst s23  }
0xa9: {  	s3 =	sshll.u32 s24, $0x1;
	_ =	strace $0x80000049;
	[dreg:$0x1] =	wrdreg $0xFFFFFFFF  }
0xaa: {  	s25 =	simm.s32 $_size_execute0_lowered;
	s1 =	sadd.s32 s1, s3;
	[dreg:$0x0] =	wrdreg $0x0  }
0xab: {  	s3 =	sshll.u32 s25, $0x1;
	[dreg:$0x2] =	wrdreg s1  }
0xac: {  	[dreg:$0x3] =	wrdreg s3  }
0xad: {  	[dreg:$0x4] =	wrdreg $0xC0  }
0xae: {  	_ =	task [dreg:s5], $0x5FFFF  }
0xaf: {  	[dreg:$0x1] =	wrdreg $0xFFFFFFFF  }
0xb0: {  	[dreg:$0x0] =	wrdreg $0x60  }
0xb1: {  	[dreg:$0x2] =	wrdreg s22  }
0xb2: {  	[dreg:$0x3] =	wrdreg s14  }
0xb3: {  	[dreg:$0x4] =	wrdreg $0x9  }
0xb4: {  	_ =	task.clear_ibuf [dreg:s5], $0x5FFFF;
	_ =	strace $0x90000049  }
0xb5: {  	s26 =	simm.s32 $0x9;
	_ =	strace $0x8000004B  }
0xb6: {  	_ =	swait.ge [sflag:s26], $0x1  }
0xb7: {  	[sflag:s26] =	ssyncadd.s32 $0xFFFFFFFF  }
0xb8: {  	_ =	strace $0x9000004B  }
0xb9: {  	_ =	sfence  }
0xba: {  	s28 =	sld [smem:$0x0];
	_ =	sdelay $0x1  }
0xbb: {  	s29 =	srdreg.scid  }
0xbc: {  	s30 =	sshll.u32 s29, $0xD;
	s31 =	sshrl.u32 s29, $0x2  }
0xbd: {  	s2 =	sand.u32 $0x4000, s30;
	s1 =	sand.u32 $0x1, s29;
	s0 =	sadd.s32 s31, s28  }
0xbe: {  	s1 =	sor.u32 s2, s1;
	s0 =	sshll.u32 s0, $0x11  }
0xbf: {  	s0 =	sor.u32 s0, s1  }
0xc0: {  	s0 =	sadd.s32 $0x8F2B, s0  }
0xc1: {  	[sflag:s0] =	ssyncadd.remote.s32 $0x1  }
0xc2: {  	_ =	sfence.sel $0xFFFF  }
0xc3: {  	[dreg:$0x0] =	wrdreg $0xFFFFFFFF;
	(pc) =	sbr.abs _section_cstart, $3  }
0xc4: {  	[dreg:$0x1] =	wrdreg $0xFFFFFFFF  }
0xc5: {  	_ =	task.clear_ibuf [dreg:s5], $0x2FFFF;
	_ =	strace $0x9FFFFFFF  }
0xc6: {  	(tm) =	ssettm $0x7FFFFFFF  }
0xc7: {  	_ =	shalt  }
tec
execute0_lowered:
.L_overlay_start_1:
0x0: {  	(tag) =	ssettag $0x1  }
0x1: {  	s0 =	stileid.u32  }
0x2: {  	s1 =	smul.u32 $0x7, s0  }
0x3: {  	s2 =	smin.u32 s0, $0xD  }
0x4: {  	s1 =	sadd.s32 s2, s1  }
0x5: {  	p0 =	slt.u32 s0, $0xD;
	s2 =	simm.s32 $0xC80;
	s1 =	smul.u32 $0x190, s1  }
0x6: {  	s2 =	simm.s32 @!p0 $0xAF0  }
0x7: {  	s2 =	sadd.s32 s2, s1  }
0x8: {  	s3 =	smin.u32 s2, $0xC350  }
0x9: {  	s7 =	ssub.s32 s3, s1  }
0xa: {  	p0 =	sgt.s32 s7, $0x0  }
0xb: {  	s7 =	simm.s32 @!p0 $0x0  }
0xc: {  	s31 =	sand.u32 $0xFFF0, s7  }
0xd: {  	s2 =	sshrl.u32 s31, $0x4  }
0xe: {  	s4 =	rddreg [dreg:$0x0];
	s2 =	smul.u32 $0xA3E, s2  }
0xf: {  	s5 =	rddreg [dreg:$0x1]  }
0x10: {  	s6 =	simm.s32 $0x1;
	s10 =	simm.s32 $0x3;
	s8 =	sshrl.u32 s2, $0x10  }
0x11: {  	s13 =	simm.s32 $0x0;
	s12 =	simm.s32 $0x0;
	s9 =	smul.u32 $0x190, s8  }
.Ltmp0:
0x12: {  	s11 =	smov.u32 s1;
	s2 =	rddreg [dreg:$0x2];
	(pc) =	sbr.rel .LBB2_1-.Ltmp0, $4  }
0x13: {  	_ =	strace $0x8000004A;
	p0 =	sne.s32 s7, s9;
	s9 =	simm.s32 $0x1  }
0x14: {  	[sflag:s6] =	ssyncpa.u1 $0x0;
	s7 =	simm.s32 $0x2;
	s9 =	simm.s32 @!p0 $0x0  }
0x15: {  	[sflag:s7] =	ssyncpa.u1 $0x0;
	p0 =	por $0x0, $0x0;
	s8 =	sadd.s32 s8, s9  }
0x16: {  	vm0 =	vmmov $0xff;
	vm1 =	vcmask $0x3F20;
	s9 =	sadd.s32 $0x1BC400, s4;
	[sflag:s10] =	ssyncpa.u1 $0x0;
	s10 =	sadd.s32 $0x1, s8  }
.LBB2_6:
0x17: {  	[hbm:s17] =	stream.linear.scatter [tilespmem:s14], [sflag:$0x3], $0x400, $0x38;
	[tilespmem:$0x19320] =	vst v63  }
.LBB2_7:
0x18: {  	s13 =	sadd.s32 $0x190, s11  }
0x19: {  	s15 =	smov.u32 s1;
	p2 =	slt.s32 s13, s3  }
0x1a: {  	s15 =	smov.u32 @p2 s13;
	p2 =	sne.s32 s12, s10  }
.Ltmp1:
0x1b: {  	p1 =	slt.u32 s12, $0x2;
	(pc) =	sbr.rel @!p2 .LBB2_8-.Ltmp1, $4  }
0x1c: {  	s14 =	simm.s32 @!p1 $0x3  }
0x1d: {  	s16 =	sadd.s32 $0x1, s12;
	_ =	swait.ge @!p1 [sflag:s14], $0xC800  }
0x1e: {  	p0 =	por !p0, !p0;
	s13 =	smov.u32 s11;
	[sflag:s14] =	ssyncset.done @!p1 $0x0  }
0x1f: {  	s12 =	smov.u32 s16;
	s11 =	smov.u32 s15;
	[sflag:s14] =	ssyncadd.s32 @!p1 $0xFFFF3800  }
.LBB2_1:
0x20: {  	p1 =	sge.u32 s12, s8  }
0x21: {  	s14 =	sxor.u32 @!p1 $0xFFFFFFFF, s12  }
0x22: {  	s14 =	sand.u32 @!p1 $0x1, s14  }
0x23: {  	s14 =	smul.u32 @!p1 $0x640, s14  }
0x24: {  	s31 =	sadd.s32 $0xFFFFFFFF, s12;
	s15 =	sshrl.u32 @!p1 s11, $0x3  }
0x25: {  	s16 =	sand.u32 @!p1 $0x7, s11;
	s15 =	sadd.s32 @!p1 s5, s15;
	s14 =	sshrl.u32 @!p1 s14, $0x2  }
0x26: {  	[tilespmem:s14], [sflag:$0x2] =	stream.linear.gather @!p1 [hbm4b:s15+s16], $0x190, $0x38;
	[tilespmem:$0x19320] =	vst v63  }
0x27: {  	p1 =	sge.u32 s31, s8  }
.Ltmp2:
0x28: {  	_ = 	snop;
	(pc) =	sbr.rel @p1 .LBB2_7-.Ltmp2, $1  }
0x29: {  	_ =	sdelay $0x3  }
0x2a: {  	s14 =	simm.s32 $0x1  }
0x2b: {  	s14 =	simm.s32 @!p0 $0x0  }
0x2c: {  	s15 =	smul.u32 $0x640, s14  }
0x2d: {  	_ =	swait.ge [sflag:s7], $0x190  }
0x2e: {  	[sflag:s7] =	ssyncset.done $0x0;
	s16 =	sshrl.u32 s15, $0x2  }
0x2f: {  	[sflag:s7] =	ssyncadd.s32 $0xFFFFFE70;
	s15 =	sadd.s32 $0x0, s16  }
0x30: {  	v0 =	vld.msk [tilespmem:s15+$0x0 ss:$0x1], $0xffff;
	_ =	sdelay $0x4  }
0x31: {  	vm2 =	vgt.s32 v0, $0x0  }
0x32: {  	v0 =	vnsel vm2, $0x0, v0  }
0x33: {  	v0 =	vmin.u32 v0, $0x1869F  }
0x34: {  	v0 =	vshll.u32 v0, $0x4  }
0x35: {  	s14 =	smul.u32 $0x32000, s14;
	_ =	sdelay $0x1  }
0x36: {  	s14 =	sshrl.u32 s14, $0x2  }
0x37: {  	s14 =	sor.u32 $0x320, s14  }
0x38: {  	[tilespmem:s14], [sflag:$0x1] =	stream.indirect_vreg.gather [hbm:s4], $0x80, v0, vm0, $0x38;
	[tilespmem:$0x19320] =	vst v63  }
0x39: {  	s17 =	sadd.s32 $0x10, s16;
	s15 =	sadd.s32 $0x400, s14  }
0x3a: {  	[tilespmem:s15], [sflag:$0x1] =	stream.indirect_vreg.gather [hbm:s4], $0x80, v0, vm1, $0x38;
	[tilespmem:$0x19320] =	vst v63  }
0x3b: {  	s18 =	simm.s32 $0x80;
	v0 =	vld.msk [tilespmem:s17+$0x0 ss:$0x1], $0xffff;
	s17 =	smov.u32 s14  }
.LBB2_3:
0x3c: {  	p1 =	sne.s32 s18, $0x600;
	_ =	sdelay $0x4  }
0x3d: {  	vm2 =	vgt.s32 v0, $0x0  }
0x3e: {  	v0 =	vnsel vm2, $0x0, v0  }
0x3f: {  	v0 =	vmin.u32 v0, $0x1869F  }
0x40: {  	v0 =	vshll.u32 v0, $0x4;
	_ =	sdelay $0x3  }
.Ltmp3:
0x41: {  	s19 =	sshra.s32 s18, $0x2;
	s17 =	sadd.s32 $0x800, s17;
	(pc) =	sbr.rel @p1 .LBB2_3-.Ltmp3, $4  }
0x42: {  	[tilespmem:s17], [sflag:$0x1] =	stream.indirect_vreg.gather [hbm:s4], $0x80, v0, vm0, $0x38;
	[tilespmem:$0x19320] =	vst v63  }
0x43: {  	s19 =	sadd.s32 s19, s16;
	s20 =	sadd.s32 $0x400, s17  }
0x44: {  	[tilespmem:s20], [sflag:$0x1] =	stream.indirect_vreg.gather [hbm:s4], $0x80, v0, vm1, $0x38;
	[tilespmem:$0x19320] =	vst v63  }
0x45: {  	s18 =	sadd.s32 $0x40, s18;
	v0 =	vld.msk [tilespmem:s19+$0x0 ss:$0x1], $0xffff  }
0x46: {  	_ =	sdelay $0x3  }
0x47: {  	vm2 =	vgt.s32 v0, $0x0  }
0x48: {  	v0 =	vnsel vm2, $0x0, v0  }
0x49: {  	v0 =	vmin.u32 v0, $0x1869F  }
0x4a: {  	v0 =	vshll.u32 v0, $0x4;
	_ =	sdelay $0x3  }
0x4b: {  	s16 =	sadd.s32 $0x800, s17  }
0x4c: {  	[tilespmem:s16], [sflag:$0x1] =	stream.indirect_vreg.gather [hbm:s4], $0x80, v0, vm0, $0x38;
	[tilespmem:$0x19320] =	vst v63  }
0x4d: {  	s16 =	sadd.s32 $0x400, s16  }
0x4e: {  	[tilespmem:s16], [sflag:$0x1] =	stream.indirect_vreg.gather [hbm:s4], $0x80, v0, vm1, $0x38;
	[tilespmem:$0x19320] =	vst v63  }
0x4f: {  	s13 =	sshll.u32 s13, $0x4;
	_ =	swait.ge [sflag:s6], $0xC800  }
0x50: {  	s13 =	sadd.s32 s13, s9;
	[sflag:s6] =	ssyncset.done $0x0  }
0x51: {  	s17 =	sadd.s32 $0x0, s13;
	s16 =	simm.s32 $0x80;
	[sflag:s6] =	ssyncadd.s32 $0xFFFF3800  }
.LBB2_5:
0x52: {  	[hbm:s17] =	stream.linear.scatter [tilespmem:s14], [sflag:$0x3], $0x400, $0x38;
	[tilespmem:$0x19320] =	vst v63  }
0x53: {  	s17 =	smov.u32 s16;
	s14 =	smov.u32 s15;
	p1 =	sne.s32 s16, $0x1880  }
.Ltmp4:
0x54: {  	s16 =	sadd.s32 $0x80, s16;
	(pc) =	sbr.rel @p1 .LBB2_5-.Ltmp4, $2  }
0x55: {  	_ =	sdelay $0x2  }
0x56: {  	s15 =	sadd.s32 $0x400, s15;
	s17 =	sadd.s32 s17, s13  }
.Ltmp5:
0x57: {  	_ = 	snop;
	(pc) =	sbr.rel .LBB2_6-.Ltmp5, $1  }
0x58: {  	_ =	sdelay $0x3  }
.LBB2_8:
0x59: {  	_ =	sfence.sel $0x180000  }
0x5a: {  	s1 =	simm.s32 $0x2;
	[bflag:$0x0] =	sbarrier.arrive $0xFFFF  }
0x5b: {  	s30 =	simm.s32 $0x3;
	[sflag:s1] =	ssyncpa.u1 $0x1  }
0x5c: {  	s31 =	simm.s32 $0x1;
	[sflag:s30] =	ssyncpa.u1 $0x1  }
0x5d: {  	[sflag:s31] =	ssyncpa.u1 $0x1  }
0x5e: {  	p0 =	sne.s32 s0, $0x0;
	_ =	strace $0x9000004A  }
0x5f: {  	s0 =	sadd.s32 @!p0 $0x100000, s2;
	[bflag:$0x2] =	sbarrier.arrive $0xFFFF  }
0x60: {  	[sflag:s0] =	ssyncadd.tile.s32 @!p0 $0x1;
	_ =	shalt  }
.Lfunc_end2:
_tile_overlayer_lowered:
.L_overlay_start_2:
0x61: {  	(tag) =	ssettag $0x2  }
0x62: {  	s0 =	rddreg [dreg:$0x0];
	s2 =	stileid.u32  }
0x63: {  	s1 =	rddreg [dreg:$0x1];
	p0 =	sne.s32 s2, $0x0  }
0x64: {  	s3 =	rddreg [dreg:$0x2];
	[bflag:$0x3] =	sbarrier.arrive $0xFFFF;
	s2 =	simm.s32 @!p0 $0x1C01  }
0x65: {  	[timem:s3], [sflag:s2] =	dma.local @!p0 [hbm:s0], s1  }
0x66: {  	s0 =	simm.s32 @!p0 $0x1  }
0x67: {  	_ =	swait.ge @!p0 [sflag:s0], s1  }
0x68: {  	s1 =	ssub.s32 @!p0 $0x0, s1;
	[sflag:s0] =	ssyncset.done @!p0 $0x0  }
0x69: {  	[sflag:s0] =	ssyncadd.s32 @!p0 s1  }
0x6a: {  	[bflag:$0x3] =	sbarrier.arrive $0xFFFF  }
0x6b: {  	_ =	shalt  }

</sc_bundles>
